<compile_context>
chip_gen: v7x
topology: tpu7x:2x2x1
jax: 0.10.2.dev20260603
libtpu: 0.0.44.dev20260713+nightly
codegen_flags: <defaults>
</compile_context>

<pallas_src>
import functools

import jax
import jax.numpy as jnp
from jax import lax
from jax.experimental import pallas as pl
from jax.experimental.pallas import tpu as pltpu
from jax.experimental.pallas import tpu_sc as plsc


_BN = 8192
_LANES = 16


def _tb_body(gf_ref, qt_ref, tb_ref):
    tb_ref[...] = jnp.sum(gf_ref[...] + qt_ref[...], axis=1)


def _rowsum_body(nt_ref, sv_ref, rs_ref):
    ones = jnp.ones((1, nt_ref.shape[1]), jnp.float32)
    rs_ref[...] = jnp.dot(ones, (nt_ref[...] + sv_ref[...]).T)[0]


def _combine_body(rs_ref, g_ref, out_ref):
    out_ref[...] = rs_ref[...] + g_ref[...]


def _make_sc_gather(n, np_, b, n_workers):
    chunk = np_ // n_workers
    mesh = plsc.VectorSubcoreMesh(core_axis_name="c", subcore_axis_name="s",
                                  num_cores=1)

    @functools.partial(
        pl.kernel,
        mesh=mesh,
        out_type=jax.ShapeDtypeStruct((np_,), jnp.float32),
        scratch_types=[
            pltpu.VMEM((chunk,), jnp.int32),
            pltpu.VMEM((b,), jnp.float32),
            pltpu.VMEM((chunk,), jnp.float32),
        ],
        compiler_params=pltpu.CompilerParams(needs_layout_passes=False),
    )
    def sc_gather(tb_hbm, idx_hbm, out_hbm, idx_v, tb_v, out_v):
        num_c = jax.lax.axis_size("c")
        wid = lax.axis_index("s") * num_c + lax.axis_index("c")
        base = wid * chunk
        pltpu.sync_copy(idx_hbm.at[pl.ds(base, chunk)], idx_v)
        pltpu.sync_copy(tb_hbm, tb_v)

        def body(j, carry):
            sl = pl.ds(j * _LANES, _LANES)
            ix = jnp.minimum(jnp.maximum(idx_v[sl], 0), b - 1)
            out_v[sl] = plsc.load_gather(tb_v, [ix])
            return carry

        lax.fori_loop(0, chunk // _LANES, body, 0, unroll=4)
        pltpu.sync_copy(out_v, out_hbm.at[pl.ds(base, chunk)])

    return sc_gather


def kernel(node_tokens, question_tokens, graph_features, state_vec, node_batch):
    n, d = node_tokens.shape
    b = question_tokens.shape[0]
    nb = (n + _BN - 1) // _BN
    np_ = nb * _BN
    idx = node_batch.astype(jnp.int32)

    tb = pl.pallas_call(
        _tb_body,
        in_specs=[pl.BlockSpec((b, d), lambda: (0, 0)),
                  pl.BlockSpec((b, d), lambda: (0, 0))],
        out_specs=pl.BlockSpec((b,), lambda: (0,)),
        out_shape=jax.ShapeDtypeStruct((b,), jnp.float32),
    )(graph_features, question_tokens)

    info = plsc.get_sparse_core_info()
    n_workers = info.num_subcores
    g = _make_sc_gather(n, np_, b, n_workers)(tb, idx)

    rs = pl.pallas_call(
        _rowsum_body,
        grid=(nb,),
        in_specs=[
            pl.BlockSpec((_BN, d), lambda i: (i, 0)),
            pl.BlockSpec((_BN, d), lambda i: (i, 0)),
        ],
        out_specs=pl.BlockSpec((_BN,), lambda i: (i,)),
        out_shape=jax.ShapeDtypeStruct((np_,), jnp.float32),
    )(node_tokens, state_vec)

    rows = np_ // 128
    out = pl.pallas_call(
        _combine_body,
        in_specs=[pl.BlockSpec((rows, 128), lambda: (0, 0)),
                  pl.BlockSpec((rows, 128), lambda: (0, 0))],
        out_specs=pl.BlockSpec((rows, 128), lambda: (0, 0)),
        out_shape=jax.ShapeDtypeStruct((rows, 128), jnp.float32),
    )(rs.reshape(rows, 128), g.reshape(rows, 128))
    return out.reshape(np_)[:n]

# --- scband reference (transcript-rebuilt; emitter-appended) ---
"""Pipeline reference for scband-dummy-log-f-19739669692491 (READ-ONLY COPY).

The authoritative reference and input builder live on the scoring server;
editing this copy changes nothing except your own understanding.
"""

import jax, jax.numpy as jnp
import numpy as np


def setup_inputs(seed: int = 0) -> dict:
    key = jax.random.key(seed)
    k1, k2, k3, k4, k5 = jax.random.split(key, 5)
    N = 100000
    B = 64
    D = 128
    node_tokens = jax.random.normal(k1, (N, D), dtype=jnp.float32)
    question_tokens = jax.random.normal(k2, (B, D), dtype=jnp.float32)
    graph_features = jax.random.normal(k3, (B, D), dtype=jnp.float32)
    state_vec = jax.random.normal(k4, (N, D), dtype=jnp.float32)
    node_batch = jnp.sort(jax.random.randint(k5, (N,), 0, B, dtype=jnp.int64))
    return {
        "node_tokens": node_tokens,
        "question_tokens": question_tokens,
        "graph_features": graph_features,
        "state_vec": state_vec,
        "node_batch": node_batch,
    }


def reference(node_tokens, question_tokens, graph_features, state_vec, node_batch):
    # index_select(0, node_batch) -> gather rows
    graph_feat = jnp.take(graph_features, node_batch, axis=0)
    questions = jnp.take(question_tokens, node_batch, axis=0)
    return (node_tokens + state_vec + graph_feat + questions).sum(axis=1)

if __name__ == "__main__":
    import jax
    _d = setup_inputs()
    print(jax.jit(kernel)(*tuple(_d.values())))

</pallas_src>

<mosaic_0001>
#map = affine_map<(d0, d1) -> (0)>
module attributes {stable_mosaic.version = 14 : i64} {
  func.func @sc_gather(%arg0: i32, %arg1: i32, %arg2: memref<64xf32, #tpu.memory_space<hbm>>, %arg3: memref<100000xi32, #tpu.memory_space<hbm>>, %arg4: memref<106496xf32, #tpu.memory_space<hbm>>, %arg5: memref<6656xi32, #tpu.memory_space<vmem>>, %arg6: memref<64xf32, #tpu.memory_space<vmem>>, %arg7: memref<6656xf32, #tpu.memory_space<vmem>>) attributes {dimension_semantics = [#tpu.dimension_semantics<core_parallel>, #tpu.dimension_semantics<subcore_parallel>], iteration_bounds = array<i64: 1, 16>, scalar_prefetch = 0 : i64, scratch_operands = 3 : i64, tpu.core_type = #tpu.core_type<sc_vector_subcore>, window_params = [{transform_indices = #map}, {transform_indices = #map}, {transform_indices = #map}]} {
    %mul3A = arith.constant 1 : i32
    %mul3A_0 = arith.muli %arg1, %mul3A : i32
    %add3A = arith.addi %mul3A_0, %arg0 : i32
    %mul3A_1 = arith.constant 6656 : i32
    %mul3A_2 = arith.muli %add3A, %mul3A_1 : i32
    "tpu.region"() ({
      %run_scoped3A = tpu.sem_alloc : memref<!tpu.dma_semaphore, #tpu.memory_space<semaphore_mem>>
      %dma_start3A = tpu.memref_slice %arg3[%mul3A_2] : memref<100000xi32, #tpu.memory_space<hbm>> -> memref<6656xi32, #tpu.memory_space<hbm>>
      %dma_start3A_8 = tpu.memref_slice %arg3[%mul3A_2] : memref<100000xi32, #tpu.memory_space<hbm>> -> memref<6656xi32, #tpu.memory_space<hbm>>
      tpu.enqueue_dma source(%dma_start3A_8 : memref<6656xi32, #tpu.memory_space<hbm>>) target(%arg5 : memref<6656xi32, #tpu.memory_space<vmem>>) target_semaphore(%run_scoped3A : memref<!tpu.dma_semaphore, #tpu.memory_space<semaphore_mem>>)
      %dma_wait3A = tpu.memref_slice %arg3[%mul3A_2] : memref<100000xi32, #tpu.memory_space<hbm>> -> memref<6656xi32, #tpu.memory_space<hbm>>
      %dma_wait3A_9 = tpu.memref_slice %arg3[%mul3A_2] : memref<100000xi32, #tpu.memory_space<hbm>> -> memref<6656xi32, #tpu.memory_space<hbm>>
      tpu.wait_dma2 semaphore(%run_scoped3A : memref<!tpu.dma_semaphore, #tpu.memory_space<semaphore_mem>>) src(%dma_wait3A_9 : memref<6656xi32, #tpu.memory_space<hbm>>) dst(%arg5 : memref<6656xi32, #tpu.memory_space<vmem>>)
      tpu.yield
    }) : () -> ()
    "tpu.region"() ({
      %run_scoped3A = tpu.sem_alloc : memref<!tpu.dma_semaphore, #tpu.memory_space<semaphore_mem>>
      tpu.enqueue_dma source(%arg2 : memref<64xf32, #tpu.memory_space<hbm>>) target(%arg6 : memref<64xf32, #tpu.memory_space<vmem>>) target_semaphore(%run_scoped3A : memref<!tpu.dma_semaphore, #tpu.memory_space<semaphore_mem>>)
      tpu.wait_dma2 semaphore(%run_scoped3A : memref<!tpu.dma_semaphore, #tpu.memory_space<semaphore_mem>>) src(%arg2 : memref<64xf32, #tpu.memory_space<hbm>>) dst(%arg6 : memref<64xf32, #tpu.memory_space<vmem>>)
      tpu.yield
    }) : () -> ()
    %scan3A = arith.constant 0 : i32
    %scan3A_3 = arith.constant 0 : i32
    %scan3A_4 = arith.constant 416 : i32
    %scan3A_5 = arith.addi %scan3A_3, %scan3A_4 : i32
    %scan3A_6 = arith.constant 4 : i32
    scf.for %scan3A_8 = %scan3A_3 to %scan3A_5 step %scan3A_6  : i32 {
      %mul3A_9 = arith.constant 16 : i32
      %mul3A_10 = arith.muli %scan3A_8, %mul3A_9 : i32
      %get3A = arith.index_cast %mul3A_10 : i32 to index
      %get3A_11 = tpu.vector_load %arg5[%get3A] {strides = array<i32>} : memref<6656xi32, #tpu.memory_space<vmem>>, vector<16xi32>,
      %max3A = arith.constant 0 : i32
      %max3A_12 = vector.broadcast %max3A : i32 to vector<16xi32>
      %max3A_13 = arith.maxsi %get3A_11, %max3A_12 : vector<16xi32>
      %min3A = arith.constant 63 : i32
      %min3A_14 = vector.broadcast %min3A : i32 to vector<16xi32>
      %min3A_15 = arith.minsi %max3A_13, %min3A_14 : vector<16xi32>
      %gather3A = tpu.vector_load_idx %arg6[%min3A_15] : memref<64xf32, #tpu.memory_space<vmem>>[vector<16xi32>], vector<16xf32>,
      %swap3A = arith.index_cast %mul3A_10 : i32 to index
      %swap3A_16 = tpu.vector_load %arg7[%swap3A] {strides = array<i32>} : memref<6656xf32, #tpu.memory_space<vmem>>, vector<16xf32>,
      tpu.vector_store %arg7[%swap3A], %gather3A {strides = array<i32>} : memref<6656xf32, #tpu.memory_space<vmem>>, vector<16xf32>,
      %scan3A_17 = arith.constant 1 : i32
      %scan3A_18 = arith.addi %scan3A_8, %scan3A_17 : i32
      %mul3A_19 = arith.constant 16 : i32
      %mul3A_20 = arith.muli %scan3A_18, %mul3A_19 : i32
      %get3A_21 = arith.index_cast %mul3A_20 : i32 to index
      %get3A_22 = tpu.vector_load %arg5[%get3A_21] {strides = array<i32>} : memref<6656xi32, #tpu.memory_space<vmem>>, vector<16xi32>,
      %max3A_23 = arith.constant 0 : i32
      %max3A_24 = vector.broadcast %max3A_23 : i32 to vector<16xi32>
      %max3A_25 = arith.maxsi %get3A_22, %max3A_24 : vector<16xi32>
      %min3A_26 = arith.constant 63 : i32
      %min3A_27 = vector.broadcast %min3A_26 : i32 to vector<16xi32>
      %min3A_28 = arith.minsi %max3A_25, %min3A_27 : vector<16xi32>
      %gather3A_29 = tpu.vector_load_idx %arg6[%min3A_28] : memref<64xf32, #tpu.memory_space<vmem>>[vector<16xi32>], vector<16xf32>,
      %swap3A_30 = arith.index_cast %mul3A_20 : i32 to index
      %swap3A_31 = tpu.vector_load %arg7[%swap3A_30] {strides = array<i32>} : memref<6656xf32, #tpu.memory_space<vmem>>, vector<16xf32>,
      tpu.vector_store %arg7[%swap3A_30], %gather3A_29 {strides = array<i32>} : memref<6656xf32, #tpu.memory_space<vmem>>, vector<16xf32>,
      %scan3A_32 = arith.constant 2 : i32
      %scan3A_33 = arith.addi %scan3A_8, %scan3A_32 : i32
      %mul3A_34 = arith.constant 16 : i32
      %mul3A_35 = arith.muli %scan3A_33, %mul3A_34 : i32
      %get3A_36 = arith.index_cast %mul3A_35 : i32 to index
      %get3A_37 = tpu.vector_load %arg5[%get3A_36] {strides = array<i32>} : memref<6656xi32, #tpu.memory_space<vmem>>, vector<16xi32>,
      %max3A_38 = arith.constant 0 : i32
      %max3A_39 = vector.broadcast %max3A_38 : i32 to vector<16xi32>
      %max3A_40 = arith.maxsi %get3A_37, %max3A_39 : vector<16xi32>
      %min3A_41 = arith.constant 63 : i32
      %min3A_42 = vector.broadcast %min3A_41 : i32 to vector<16xi32>
      %min3A_43 = arith.minsi %max3A_40, %min3A_42 : vector<16xi32>
      %gather3A_44 = tpu.vector_load_idx %arg6[%min3A_43] : memref<64xf32, #tpu.memory_space<vmem>>[vector<16xi32>], vector<16xf32>,
      %swap3A_45 = arith.index_cast %mul3A_35 : i32 to index
      %swap3A_46 = tpu.vector_load %arg7[%swap3A_45] {strides = array<i32>} : memref<6656xf32, #tpu.memory_space<vmem>>, vector<16xf32>,
      tpu.vector_store %arg7[%swap3A_45], %gather3A_44 {strides = array<i32>} : memref<6656xf32, #tpu.memory_space<vmem>>, vector<16xf32>,
      %scan3A_47 = arith.constant 3 : i32
      %scan3A_48 = arith.addi %scan3A_8, %scan3A_47 : i32
      %mul3A_49 = arith.constant 16 : i32
      %mul3A_50 = arith.muli %scan3A_48, %mul3A_49 : i32
      %get3A_51 = arith.index_cast %mul3A_50 : i32 to index
      %get3A_52 = tpu.vector_load %arg5[%get3A_51] {strides = array<i32>} : memref<6656xi32, #tpu.memory_space<vmem>>, vector<16xi32>,
      %max3A_53 = arith.constant 0 : i32
      %max3A_54 = vector.broadcast %max3A_53 : i32 to vector<16xi32>
      %max3A_55 = arith.maxsi %get3A_52, %max3A_54 : vector<16xi32>
      %min3A_56 = arith.constant 63 : i32
      %min3A_57 = vector.broadcast %min3A_56 : i32 to vector<16xi32>
      %min3A_58 = arith.minsi %max3A_55, %min3A_57 : vector<16xi32>
      %gather3A_59 = tpu.vector_load_idx %arg6[%min3A_58] : memref<64xf32, #tpu.memory_space<vmem>>[vector<16xi32>], vector<16xf32>,
      %swap3A_60 = arith.index_cast %mul3A_50 : i32 to index
      %swap3A_61 = tpu.vector_load %arg7[%swap3A_60] {strides = array<i32>} : memref<6656xf32, #tpu.memory_space<vmem>>, vector<16xf32>,
      tpu.vector_store %arg7[%swap3A_60], %gather3A_59 {strides = array<i32>} : memref<6656xf32, #tpu.memory_space<vmem>>, vector<16xf32>,
    }
    %scan3A_7 = arith.constant 416 : i32
    "tpu.region"() ({
      %run_scoped3A = tpu.sem_alloc : memref<!tpu.dma_semaphore, #tpu.memory_space<semaphore_mem>>
      %dma_start3A = tpu.memref_slice %arg4[%mul3A_2] : memref<106496xf32, #tpu.memory_space<hbm>> -> memref<6656xf32, #tpu.memory_space<hbm>>
      %dma_start3A_8 = tpu.memref_slice %arg4[%mul3A_2] : memref<106496xf32, #tpu.memory_space<hbm>> -> memref<6656xf32, #tpu.memory_space<hbm>>
      tpu.enqueue_dma source(%arg7 : memref<6656xf32, #tpu.memory_space<vmem>>) target(%dma_start3A_8 : memref<6656xf32, #tpu.memory_space<hbm>>) target_semaphore(%run_scoped3A : memref<!tpu.dma_semaphore, #tpu.memory_space<semaphore_mem>>)
      %dma_wait3A = tpu.memref_slice %arg4[%mul3A_2] : memref<106496xf32, #tpu.memory_space<hbm>> -> memref<6656xf32, #tpu.memory_space<hbm>>
      %dma_wait3A_9 = tpu.memref_slice %arg4[%mul3A_2] : memref<106496xf32, #tpu.memory_space<hbm>> -> memref<6656xf32, #tpu.memory_space<hbm>>
      tpu.wait_dma2 semaphore(%run_scoped3A : memref<!tpu.dma_semaphore, #tpu.memory_space<semaphore_mem>>) src(%arg7 : memref<6656xf32, #tpu.memory_space<vmem>>) dst(%dma_wait3A_9 : memref<6656xf32, #tpu.memory_space<hbm>>)
      tpu.yield
    }) : () -> ()
    return
  }
}

module attributes {stable_mosaic.version = 14 : i64} {
  func.func @_rowsum_body(%arg0: i32, %arg1: memref<8192x128xf32, #tpu.memory_space<vmem>>, %arg2: memref<8192x128xf32, #tpu.memory_space<vmem>>, %arg3: memref<8192xf32, #tpu.memory_space<vmem>>) attributes {dimension_semantics = [#tpu.dimension_semantics<arbitrary>], iteration_bounds = array<i64: 13>, scalar_prefetch = 0 : i64, scratch_operands = 0 : i64, tpu.core_type = #tpu.core_type<tc>, window_params = [{transform_indices = @transform_0, window_bounds = array<i64: 8192, 128>}, {transform_indices = @transform_1, window_bounds = array<i64: 8192, 128>}, {transform_indices = @transform_2, window_bounds = array<i64: 8192>}]} {
    %broadcast_in_dim3A = arith.constant 1.000000e+00 : f32
    %broadcast_in_dim3A_0 = vector.broadcast %broadcast_in_dim3A : f32 to vector<1x128xf32>
    %get3A = arith.constant 0 : index
    %get3A_1 = arith.constant 0 : index
    %get3A_2 = vector.load %arg1[%get3A, %get3A_1] : memref<8192x128xf32, #tpu.memory_space<vmem>>, vector<8192x128xf32>
    %get3A_3 = arith.constant 0 : index
    %get3A_4 = arith.constant 0 : index
    %get3A_5 = vector.load %arg2[%get3A_3, %get3A_4] : memref<8192x128xf32, #tpu.memory_space<vmem>>, vector<8192x128xf32>
    %add3A = arith.addf %get3A_2, %get3A_5 : vector<8192x128xf32>
    %transpose3A = tpu.transpose %add3A, [1, 0] : vector<8192x128xf32> -> vector<128x8192xf32>
    %dot_general3A = arith.constant dense<0.000000e+00> : vector<1x8192xf32>
    %dot_general3A_6 = tpu.matmul %broadcast_in_dim3A_0, %transpose3A, %dot_general3A {dimension_numbers = #tpu.dot_dimension_numbers<[1], [0], [0], [1], [0, 0, 1, 1], [], []>, transpose_lhs_hint = false} : vector<1x128xf32>, vector<128x8192xf32>, vector<1x8192xf32> -> vector<1x8192xf32>
    %squeeze3A = vector.shape_cast %dot_general3A_6 : vector<1x8192xf32> to vector<8192xf32>
    %swap3A = arith.constant 0 : index
    %swap3A_7 = vector.load %arg3[%swap3A] : memref<8192xf32, #tpu.memory_space<vmem>>, vector<8192xf32>
    tpu.vector_store %arg3[%swap3A], %squeeze3A {strides = array<i32>} : memref<8192xf32, #tpu.memory_space<vmem>>, vector<8192xf32>,
    return
  }
  func.func @transform_0(%arg0: i32) -> (i32, i32) {
    %c0_i32 = arith.constant 0 : i32
    %c0_i32_0 = arith.constant 0 : i32
    return %arg0, %c0_i32 : i32, i32
  }
  func.func @transform_1(%arg0: i32) -> (i32, i32) {
    %c0_i32 = arith.constant 0 : i32
    %c0_i32_0 = arith.constant 0 : i32
    return %arg0, %c0_i32 : i32, i32
  }
  func.func @transform_2(%arg0: i32) -> i32 {
    %c0_i32 = arith.constant 0 : i32
    return %arg0 : i32
  }
}

module attributes {stable_mosaic.version = 14 : i64} {
  func.func @_tb_body(%arg0: memref<64x128xf32, #tpu.memory_space<vmem>>, %arg1: memref<64x128xf32, #tpu.memory_space<vmem>>, %arg2: memref<64xf32, #tpu.memory_space<vmem>>) attributes {dimension_semantics = [], scalar_prefetch = 0 : i64, scratch_operands = 0 : i64, tpu.core_type = #tpu.core_type<tc>} {
    %get3A = arith.constant 0 : index
    %get3A_0 = arith.constant 0 : index
    %get3A_1 = vector.load %arg0[%get3A, %get3A_0] : memref<64x128xf32, #tpu.memory_space<vmem>>, vector<64x128xf32>
    %get3A_2 = arith.constant 0 : index
    %get3A_3 = arith.constant 0 : index
    %get3A_4 = vector.load %arg1[%get3A_2, %get3A_3] : memref<64x128xf32, #tpu.memory_space<vmem>>, vector<64x128xf32>
    %add3A = arith.addf %get3A_1, %get3A_4 : vector<64x128xf32>
    %reduce_sum3A = arith.constant dense<0.000000e+00> : vector<64xf32>
    %reduce_sum3A_5 = vector.multi_reduction <add>, %add3A, %reduce_sum3A [1] : vector<64x128xf32> to vector<64xf32>
    %swap3A = arith.constant 0 : index
    %swap3A_6 = vector.load %arg2[%swap3A] : memref<64xf32, #tpu.memory_space<vmem>>, vector<64xf32>
    tpu.vector_store %arg2[%swap3A], %reduce_sum3A_5 {strides = array<i32>} : memref<64xf32, #tpu.memory_space<vmem>>, vector<64xf32>,
    return
  }
}

module attributes {stable_mosaic.version = 14 : i64} {
  func.func @_combine_body(%arg0: memref<832x128xf32, #tpu.memory_space<vmem>>, %arg1: memref<832x128xf32, #tpu.memory_space<vmem>>, %arg2: memref<832x128xf32, #tpu.memory_space<vmem>>) attributes {dimension_semantics = [], scalar_prefetch = 0 : i64, scratch_operands = 0 : i64, tpu.core_type = #tpu.core_type<tc>} {
    %get3A = arith.constant 0 : index
    %get3A_0 = arith.constant 0 : index
    %get3A_1 = vector.load %arg0[%get3A, %get3A_0] : memref<832x128xf32, #tpu.memory_space<vmem>>, vector<832x128xf32>
    %get3A_2 = arith.constant 0 : index
    %get3A_3 = arith.constant 0 : index
    %get3A_4 = vector.load %arg1[%get3A_2, %get3A_3] : memref<832x128xf32, #tpu.memory_space<vmem>>, vector<832x128xf32>
    %add3A = arith.addf %get3A_1, %get3A_4 : vector<832x128xf32>
    %swap3A = arith.constant 0 : index
    %swap3A_5 = arith.constant 0 : index
    %swap3A_6 = vector.load %arg2[%swap3A, %swap3A_5] : memref<832x128xf32, #tpu.memory_space<vmem>>, vector<832x128xf32>
    tpu.vector_store %arg2[%swap3A, %swap3A_5], %add3A {strides = array<i32>} : memref<832x128xf32, #tpu.memory_space<vmem>>, vector<832x128xf32>,
    return
  }
}

</mosaic_0001>

<sc_bundles>
// kernel: kernel.6.cloned.1.call-start
scs
__scs_entry_jumppad:
0x0: {  	(pc) =	sbr.rel $0x88, $3  }
0x1: {  	(tag) =	ssettag $0x0;
	lr =	simm.s32 $0x1  }
0x2: {  	[smem:$0x3F9C] =	sst lr;
	_ =	strace $0xD0000000  }
0x3: {  	_ = 	snop  }
0x4: {  	_ = 	snop  }
0x5: {  	_ = 	snop  }
0x6: {  	_ = 	snop  }
0x7: {  	_ = 	snop  }
__scs_overlays_trampoline_lowered:
0x8: {  	[smem:$0x3FAB] =	sst s0  }
0x9: {  	[smem:$0x3FAC] =	sst s1  }
0xa: {  	[smem:$0x3FAD] =	sst s2  }
0xb: {  	[smem:$0x3FAE] =	sst s3  }
0xc: {  	[smem:$0x3FAF] =	sst s4  }
0xd: {  	[smem:$0x3FB0] =	sst s5  }
0xe: {  	[smem:$0x3FB1] =	sst s6  }
0xf: {  	[smem:$0x3FB2] =	sst s7  }
0x10: {  	[smem:$0x3FB3] =	sst s8  }
0x11: {  	[smem:$0x3FB4] =	sst s9;
	s0 =	simm.s32 @!p0 $0x0  }
0x12: {  	s1 =	sld [smem:$0x3F9A];
	s0 =	simm.s32 @p0 $0x1  }
0x13: {  	[smem:$0x3FB5] =	sst s0;
	s0 =	simm.s32 @!p1 $0x0  }
0x14: {  	s2 =	sld [smem:$0x3F99];
	s0 =	simm.s32 @p1 $0x1  }
0x15: {  	[smem:$0x3FB6] =	sst s0;
	s0 =	simm.s32 @!p2 $0x0  }
0x16: {  	s3 =	sld [smem:$0x3FDB];
	s0 =	simm.s32 @p2 $0x1  }
0x17: {  	s4 =	simm.s32 $0x1BF5;
	[smem:$0x3FB8] =	sst s0  }
0x18: {  	s0 =	sld [smem:$0x3F9B];
	_ =	swait.ge [sflag:s4], $0x0  }
0x19: {  	s7 =	sld [smem:$0x3F9C]  }
0x1a: {  	s8 =	sadd.s32 $0xFFFFE003, lr  }
0x1b: {  	s9 =	sadd.s32 $0xFFFFFEF7, lr;
	s5 =	simm.s32 $0xFFFFFFFF;
	p2 =	slt.u32 s8, $0xFFFFF086  }
0x1c: {  	p1 =	slt.u32 s9, $0xF7A;
	s5 =	simm.s32 @!p2 $0x0  }
0x1d: {  	s5 =	simm.s32 @p1 $0x1;
	p0 =	seq.s32 s7, s2  }
0x1e: {  	s7 =	smul.u32 @!p0 $0xF7A, s2;
	p2 =	seq.s32 @!p0 s5, $0x0  }
0x1f: {  	s9 =	smul.u32 $0xF7A, s1;
	s8 =	simm.s32 @!p0 $0x1BF5;
	p2 =	por !p2, p0  }
0x20: {  	[sflag:s8] =	ssyncset.s32 @!p0 $0xFFFFF086;
	s6 =	sadd.s32 @!p0 s3, s7;
	s7 =	simm.s32 @!p0 $0x108  }
0x21: {  	s3 =	sadd.s32 s3, s9;
	s6 =	sadd.s32 @!p0 $0x88, s6;
	s7 =	simm.s32 @p2 $0x1082  }
0x22: {  	[simem:s7], [sflag:s8] =	dma.local @!p0 [hbm:s6], $0xF7A  }
0x23: {  	s9 =	sor.u32 $0xD0000000, s2;
	s6 =	simm.s32 $0x108;
	_ =	swait.ge @!p0 [sflag:s8], $0x0  }
0x24: {  	s3 =	sadd.s32 $0x88, s3;
	s6 =	simm.s32 @!p1 $0x1082;
	[sflag:s4] =	ssyncset.s32 $0xFFFFF086  }
0x25: {  	[simem:s6], [sflag:s4] =	dma.local [hbm:s3], $0xF7A  }
0x26: {  	[smem:$0x3F9C] =	sst s1;
	(tag) =	ssettag s2;
	_ =	strace s9  }
0x27: {  	s1 =	sld [smem:$0x3FAC]  }
0x28: {  	s2 =	sld [smem:$0x3FAD]  }
0x29: {  	s4 =	sld [smem:$0x3FAF]  }
0x2a: {  	p0 =	seq.s32 s5, $0x0;
	s5 =	sld [smem:$0x3FB0]  }
0x2b: {  	s6 =	sld [smem:$0x3FB1]  }
0x2c: {  	s7 =	sld [smem:$0x3FB2]  }
0x2d: {  	s3 =	simm.s32 $0x108;
	s8 =	sld [smem:$0x3FB3]  }
0x2e: {  	s3 =	simm.s32 @!p0 $0x1082;
	s9 =	sld [smem:$0x3FB4]  }
0x2f: {  	lr =	sadd.s32 s0, s3;
	s0 =	sld [smem:$0x3FAB]  }
0x30: {  	s3 =	sld [smem:$0x3FAE]  }
0x31: {  	[smem:$0x3FB7] =	sst s10  }
0x32: {  	s10 =	sld [smem:$0x3FB5];
	_ =	sdelay $0x3  }
0x33: {  	p0 =	seq.s32 s10, $0x1;
	s10 =	sld [smem:$0x3FB7];
	_ =	sdelay $0x3  }
0x34: {  	[smem:$0x3FB7] =	sst s10  }
0x35: {  	s10 =	sld [smem:$0x3FB6];
	_ =	sdelay $0x3  }
0x36: {  	p1 =	seq.s32 s10, $0x1;
	s10 =	sld [smem:$0x3FB7];
	_ =	sdelay $0x3  }
0x37: {  	[smem:$0x3FB7] =	sst s10  }
0x38: {  	s10 =	sld [smem:$0x3FB8]  }
0x39: {  	_ = 	snop;
	(pc) =	sbr.ind lr, $3  }
0x3a: {  	_ = 	snop  }
0x3b: {  	_ = 	snop  }
0x3c: {  	p2 =	seq.s32 s10, $0x1;
	s10 =	sld [smem:$0x3FB7]  }
0x3d: {  	_ =	shalt  }
0x3e: {  	_ =	shalt  }
0x3f: {  	_ =	shalt  }
0x40: {  	_ =	shalt  }
0x41: {  	_ =	shalt  }
0x42: {  	_ =	shalt  }
0x43: {  	_ =	shalt  }
0x44: {  	_ =	shalt  }
0x45: {  	_ =	shalt  }
0x46: {  	_ =	shalt  }
0x47: {  	_ =	shalt  }
0x48: {  	_ =	shalt  }
0x49: {  	_ =	shalt  }
0x4a: {  	_ =	shalt  }
0x4b: {  	_ =	shalt  }
0x4c: {  	_ =	shalt  }
0x4d: {  	_ =	shalt  }
0x4e: {  	_ =	shalt  }
0x4f: {  	_ =	shalt  }
0x50: {  	_ =	shalt  }
0x51: {  	_ =	shalt  }
0x52: {  	_ =	shalt  }
0x53: {  	_ =	shalt  }
0x54: {  	_ =	shalt  }
0x55: {  	_ =	shalt  }
0x56: {  	_ =	shalt  }
0x57: {  	_ =	shalt  }
0x58: {  	_ =	shalt  }
0x59: {  	_ =	shalt  }
0x5a: {  	_ =	shalt  }
0x5b: {  	_ =	shalt  }
0x5c: {  	_ =	shalt  }
0x5d: {  	_ =	shalt  }
0x5e: {  	_ =	shalt  }
0x5f: {  	_ =	shalt  }
0x60: {  	_ =	shalt  }
0x61: {  	_ =	shalt  }
0x62: {  	_ =	shalt  }
0x63: {  	_ =	shalt  }
0x64: {  	_ =	shalt  }
0x65: {  	_ =	shalt  }
0x66: {  	_ =	shalt  }
0x67: {  	_ =	shalt  }
0x68: {  	_ =	shalt  }
0x69: {  	_ =	shalt  }
0x6a: {  	_ =	shalt  }
0x6b: {  	_ =	shalt  }
0x6c: {  	_ =	shalt  }
0x6d: {  	_ =	shalt  }
0x6e: {  	_ =	shalt  }
0x6f: {  	_ =	shalt  }
0x70: {  	_ =	shalt  }
0x71: {  	_ =	shalt  }
0x72: {  	_ =	shalt  }
0x73: {  	_ =	shalt  }
0x74: {  	_ =	shalt  }
0x75: {  	_ =	shalt  }
0x76: {  	_ =	shalt  }
0x77: {  	_ =	shalt  }
0x78: {  	_ =	shalt  }
0x79: {  	_ =	shalt  }
0x7a: {  	_ =	shalt  }
0x7b: {  	_ =	shalt  }
0x7c: {  	_ =	shalt  }
0x7d: {  	_ =	shalt  }
0x7e: {  	_ =	shalt  }
0x7f: {  	_ =	shalt  }
0x80: {  	_ =	shalt  }
0x81: {  	_ =	shalt  }
0x82: {  	_ =	shalt  }
0x83: {  	_ =	shalt  }
0x84: {  	_ =	shalt  }
0x85: {  	_ =	shalt  }
0x86: {  	_ =	shalt  }
0x87: {  	_ =	shalt  }
.Lfunc_end0:
.L_simem_size_0:
called_computation_lowered:
.L_overlay_start_0:
0x88: {  	s0 =	sld [smem:$0x3FD9]  }
0x89: {  	s1 =	sld [smem:$0x3FFE];
	_ =	sdelay $0x3  }
0x8a: {  	s0 =	sadd.s32 s1, s0  }
0x8b: {  	[smem:$0x3FC3] =	sst s0  }
0x8c: {  	_ = 	snop  }
0x8d: {  	s0 =	sld [smem:$0x3FC5]  }
0x8e: {  	s16 =	sld [smem:$0x3FD0];
	(tm) =	ssettm $0x1  }
0x8f: {  	s2 =	sld [smem:$0x3FFB];
	_ =	sdelay $0x3  }
0x90: {  	_ =	strace s2  }
0x91: {  	s2 =	sld [smem:$0x3FFC];
	_ =	sdelay $0x3  }
0x92: {  	_ =	strace s2  }
0x93: {  	s2 =	sld [smem:$0x3FFD];
	_ =	sdelay $0x3  }
0x94: {  	_ =	strace s2  }
0x95: {  	_ =	strace $0x8FFFFFFF  }
0x96: {  	s17 =	sld [smem:$0x3FDB];
	_ =	sdelay $0x1  }
0x97: {  	s3 =	simm.s32 $_scs_section_size  }
0x98: {  	s4 =	simm.s32 $_size__tile_overlayer_lowered;
	s5 =	simm.s32 $_tile_overlayer_lowered  }
0x99: {  	s20 =	simm.s32 $0x1BFF;
	s19 =	sshll.u32 s5, $0x1;
	s2 =	sadd.s32 s3, s17  }
0x9a: {  	s6 =	simm.s32 $0x0;
	s18 =	sshll.u32 s4, $0x1;
	s4 =	sadd.s32 s19, s2  }
0x9b: {  	[timem:s6], [sflag:s20] =	dma.local [hbm:s4], s18  }
0x9c: {  	_ =	swait.ge [sflag:s20], s18  }
0x9d: {  	s3 =	ssub.s32 $0x0, s18;
	[sflag:s20] =	ssyncset.done $0x0  }
0x9e: {  	[sflag:s20] =	ssyncadd.s32 s3;
	_ =	sdelay $0x1  }
0x9f: {  	s21 =	simm.s32 $0x1B8B  }
0xa0: {  	_ =	swait.ge [sflag:s21], $0x1  }
0xa1: {  	[sflag:s21] =	ssyncset.done $0x0  }
0xa2: {  	s23 =	simm.s32 $0x1B8E;
	s22 =	sld [smem:$0x3FFE];
	[sflag:s21] =	ssyncadd.s32 $0xFFFFFFFF  }
0xa3: {  	s24 =	simm.s32 $execute0_lowered;
	[smem:$0x3FD2] =	sst s23  }
0xa4: {  	s4 =	sshll.u32 s24, $0x1;
	_ =	strace $0x80000046;
	[dreg:$0x1] =	wrdreg $0xFFFFFFFF  }
0xa5: {  	s25 =	simm.s32 $_size_execute0_lowered;
	s2 =	sadd.s32 s2, s4;
	[dreg:$0x0] =	wrdreg $0x0  }
0xa6: {  	s4 =	sshll.u32 s25, $0x1;
	[dreg:$0x2] =	wrdreg s2  }
0xa7: {  	[dreg:$0x3] =	wrdreg s4  }
0xa8: {  	[dreg:$0x4] =	wrdreg $0xC0  }
0xa9: {  	_ =	task [dreg:s6], $0x5FFFF  }
0xaa: {  	[dreg:$0x1] =	wrdreg $0xFFFFFFFF  }
0xab: {  	[dreg:$0x0] =	wrdreg $0x60  }
0xac: {  	[dreg:$0x2] =	wrdreg s16  }
0xad: {  	[dreg:$0x3] =	wrdreg s0  }
0xae: {  	[dreg:$0x4] =	wrdreg s22  }
0xaf: {  	[dreg:$0x5] =	wrdreg $0x9  }
0xb0: {  	_ =	task.clear_ibuf [dreg:s6], $0x6FFFF;
	_ =	strace $0x90000046  }
0xb1: {  	s26 =	simm.s32 $0x9;
	_ =	strace $0x80000048  }
0xb2: {  	_ =	swait.ge [sflag:s26], $0x1  }
0xb3: {  	[sflag:s26] =	ssyncadd.s32 $0xFFFFFFFF  }
0xb4: {  	_ =	strace $0x90000048  }
0xb5: {  	_ =	sfence  }
0xb6: {  	s28 =	sld [smem:$0x0];
	_ =	sdelay $0x1  }
0xb7: {  	s29 =	srdreg.scid  }
0xb8: {  	s30 =	sshll.u32 s29, $0xD;
	s31 =	sshrl.u32 s29, $0x2  }
0xb9: {  	s1 =	sand.u32 $0x1, s29;
	s2 =	sand.u32 $0x4000, s30;
	s0 =	sadd.s32 s31, s28  }
0xba: {  	s1 =	sor.u32 s2, s1;
	s0 =	sshll.u32 s0, $0x11  }
0xbb: {  	s0 =	sor.u32 s0, s1  }
0xbc: {  	s0 =	sadd.s32 $0x8F2B, s0  }
0xbd: {  	[sflag:s0] =	ssyncadd.remote.s32 $0x1  }
0xbe: {  	_ =	sfence.sel $0xFFFF  }
0xbf: {  	[dreg:$0x0] =	wrdreg $0xFFFFFFFF;
	(pc) =	sbr.abs _section_cstart, $3  }
0xc0: {  	[dreg:$0x1] =	wrdreg $0xFFFFFFFF  }
0xc1: {  	_ =	task.clear_ibuf [dreg:s6], $0x2FFFF;
	_ =	strace $0x9FFFFFFF  }
0xc2: {  	(tm) =	ssettm $0x7FFFFFFF  }
0xc3: {  	_ =	shalt  }
tec
execute0_lowered:
.L_overlay_start_1:
0x0: {  	(tag) =	ssettag $0x1  }
0x1: {  	s4 =	rddreg [dreg:$0x0]  }
0x2: {  	s3 =	rddreg [dreg:$0x1]  }
0x3: {  	s5 =	rddreg [dreg:$0x2];
	s1 =	stileid.u32  }
0x4: {  	s0 =	rddreg [dreg:$0x3];
	s6 =	simm.s32 $0x0;
	s2 =	smul.u32 $0x340, s1  }
0x5: {  	[smem:$0x7FF] =	sst s6  }
0x6: {  	s7 =	simm.s32 $0x1;
	_ =	strace $0x80000047;
	s3 =	sadd.s32 s3, s2  }
0x7: {  	[tilespmem:s6], [sflag:$0x1] =	stream.linear.gather [hbm4b:s3+s6], $0x1A00, $0x38;
	[tilespmem:$0x3480] =	vst v63  }
0x8: {  	_ =	swait.ge [sflag:s7], $0x1A00  }
0x9: {  	[sflag:s7] =	ssyncset.done $0x0  }
0xa: {  	s3 =	simm.s32 $0x1A00;
	[sflag:s7] =	ssyncadd.s32 $0xFFFFE600  }
0xb: {  	[tilespmem:s3], [sflag:$0x1] =	stream.linear.gather [hbm4b:s4+s6], $0x80, $0x38;
	[tilespmem:$0x3480] =	vst v63  }
0xc: {  	_ =	swait.ge [sflag:s7], $0x80  }
0xd: {  	s4 =	sadd.s32 $0xC00, s5;
	s5 =	simm.s32 $0xFFFFFFFC;
	[sflag:s7] =	ssyncset.done $0x0  }
0xe: {  	s6 =	simm.s32 $0x1AA0;
	[sflag:s7] =	ssyncadd.s32 $0xFFFFFF80;
	s7 =	simm.s32 $0x20  }
.LBB2_1:
0xf: {  	v0 =	vld [tilespmem:s7+$0xFFFFFFE0];
	_ =	sdelay $0x4  }
0x10: {  	vm0 =	vgt.s32 v0, $0x0  }
0x11: {  	v0 =	vnsel vm0, $0x0, v0  }
0x12: {  	v0 =	vmin.u32 v0, $0x3F;
	_ =	sdelay $0x4  }
0x13: {  	v0 =	vld.idx.msk [tilespmem:v0+s3+$0x0], $0xffff;
	_ =	sdelay $0x4  }
0x14: {  	[tilespmem:s6+$0xFFFFFFE0] =	vst v0  }
0x15: {  	v0 =	vld [tilespmem:s7+$0xFFFFFFF0];
	_ =	sdelay $0x4  }
0x16: {  	vm13 =	vgt.s32 v0, $0x0  }
0x17: {  	v0 =	vnsel vm13, $0x0, v0  }
0x18: {  	v0 =	vmin.u32 v0, $0x3F;
	_ =	sdelay $0x4  }
0x19: {  	v0 =	vld.idx.msk [tilespmem:v0+s3+$0x0], $0xffff;
	_ =	sdelay $0x4  }
0x1a: {  	[tilespmem:s6+$0xFFFFFFF0] =	vst v0  }
0x1b: {  	v0 =	vld [tilespmem:s7+$0x0];
	_ =	sdelay $0x4  }
0x1c: {  	vm14 =	vgt.s32 v0, $0x0  }
0x1d: {  	v0 =	vnsel vm14, $0x0, v0  }
0x1e: {  	v0 =	vmin.u32 v0, $0x3F;
	_ =	sdelay $0x4  }
0x1f: {  	v0 =	vld.idx.msk [tilespmem:v0+s3+$0x0], $0xffff;
	_ =	sdelay $0x4  }
0x20: {  	[tilespmem:s6+$0x0] =	vst v0  }
0x21: {  	v0 =	vld [tilespmem:s7+$0x10];
	_ =	sdelay $0x4  }
0x22: {  	vm15 =	vgt.s32 v0, $0x0  }
0x23: {  	v0 =	vnsel vm15, $0x0, v0  }
0x24: {  	v0 =	vmin.u32 v0, $0x3F;
	_ =	sdelay $0x3  }
0x25: {  	s5 =	sadd.s32 $0x4, s5  }
0x26: {  	p0 =	slt.u32 s5, $0x19C;
	v0 =	vld.idx.msk [tilespmem:v0+s3+$0x0], $0xffff  }
.Ltmp0:
0x27: {  	_ = 	snop;
	(pc) =	sbr.rel @p0 .LBB2_1-.Ltmp0, $2  }
0x28: {  	_ =	sdelay $0x2  }
0x29: {  	s7 =	sadd.s32 $0x40, s7;
	[tilespmem:s6+$0x10] =	vst v0;
	s6 =	sadd.s32 $0x40, s6  }
0x2a: {  	s2 =	sadd.s32 s4, s2  }
0x2b: {  	s3 =	simm.s32 $0x0;
	s30 =	simm.s32 $0x1A80;
	s31 =	simm.s32 $0x1  }
0x2c: {  	[hbm4b:s2+s3] =	stream.linear.scatter [tilespmem:s30], [sflag:$0x1], $0x1A00, $0x38;
	[tilespmem:$0x3480] =	vst v63  }
0x2d: {  	_ =	swait.ge [sflag:s31], $0x1A00  }
0x2e: {  	[sflag:s31] =	ssyncset.done $0x0  }
0x2f: {  	[sflag:s31] =	ssyncadd.s32 $0xFFFFE600  }
0x30: {  	_ =	sfence.sel $0x180000  }
0x31: {  	[bflag:$0x0] =	sbarrier.arrive $0xFFFF  }
0x32: {  	p0 =	sne.s32 s1, $0x0;
	_ =	strace $0x90000047  }
0x33: {  	s0 =	sadd.s32 @!p0 $0x100000, s0;
	[bflag:$0x2] =	sbarrier.arrive $0xFFFF  }
0x34: {  	[sflag:s0] =	ssyncadd.tile.s32 @!p0 $0x1;
	_ =	shalt  }
.Lfunc_end2:
_tile_overlayer_lowered:
.L_overlay_start_2:
0x35: {  	(tag) =	ssettag $0x2  }
0x36: {  	s0 =	rddreg [dreg:$0x0];
	s2 =	stileid.u32  }
0x37: {  	s1 =	rddreg [dreg:$0x1];
	p0 =	sne.s32 s2, $0x0  }
0x38: {  	s3 =	rddreg [dreg:$0x2];
	[bflag:$0x3] =	sbarrier.arrive $0xFFFF;
	s2 =	simm.s32 @!p0 $0x1C01  }
0x39: {  	[timem:s3], [sflag:s2] =	dma.local @!p0 [hbm:s0], s1  }
0x3a: {  	s0 =	simm.s32 @!p0 $0x1  }
0x3b: {  	_ =	swait.ge @!p0 [sflag:s0], s1  }
0x3c: {  	s1 =	ssub.s32 @!p0 $0x0, s1;
	[sflag:s0] =	ssyncset.done @!p0 $0x0  }
0x3d: {  	[sflag:s0] =	ssyncadd.s32 @!p0 s1  }
0x3e: {  	[bflag:$0x3] =	sbarrier.arrive $0xFFFF  }
0x3f: {  	_ =	shalt  }

</sc_bundles>
